<compile_context>
chip_gen: v7x
topology: tpu7x:2x2x1
jax: 0.10.2.dev20260603
libtpu: 0.0.44.dev20260713+nightly
codegen_flags: <defaults>
</compile_context>

<pallas_src>
import functools

import jax
import jax.numpy as jnp
from jax import lax
from jax.experimental import pallas as pl
from jax.experimental.pallas import tpu as pltpu
from jax.experimental.pallas import tpu_sc as plsc

T = 1000
B = 16384
L = 16
NC, NS = 1, 16
NW = NC * NS
BPW = B // NW


def _sc_body(t_hbm, ab_hbm, s_hbm, s2_hbm, b_hbm, out_hbm,
             t_v, ab_v, s_v, s2_v, b_v, out_v, sem):
    wid = lax.axis_index("s") * NC + lax.axis_index("c")
    base = wid * BPW

    in_cps = [
        pltpu.async_copy(t_hbm.at[pl.ds(base, BPW)], t_v, sem),
        pltpu.async_copy(ab_hbm, ab_v, sem),
        pltpu.async_copy(s_hbm, s_v, sem),
        pltpu.async_copy(s2_hbm, s2_v, sem),
        pltpu.async_copy(b_hbm, b_v, sem),
    ]
    for c in in_cps:
        c.wait()

    def step(i, carry):
        off = i * L
        idx = t_v[pl.ds(off, L)]
        ab = plsc.load_gather(ab_v, [idx])
        s = plsc.load_gather(s_v, [idx])
        s2 = plsc.load_gather(s2_v, [idx])
        b = plsc.load_gather(b_v, [idx])
        snr = (ab * ab) / jnp.maximum(s2, jnp.float32(1e-20))
        out_v[0, pl.ds(off, L)] = ab
        out_v[1, pl.ds(off, L)] = s
        out_v[2, pl.ds(off, L)] = s2
        out_v[3, pl.ds(off, L)] = b
        out_v[4, pl.ds(off, L)] = snr
        return carry

    lax.fori_loop(0, BPW // L, step, 0, unroll=8)

    pltpu.async_copy(out_v, out_hbm.at[:, pl.ds(base, BPW)], sem).wait()


@jax.jit
def _run(t, alpha_bar, sigma, sigma_sq, beta):
    mesh = plsc.VectorSubcoreMesh(core_axis_name="c", subcore_axis_name="s",
                                  num_cores=NC)
    k = functools.partial(
        pl.kernel,
        mesh=mesh,
        out_type=jax.ShapeDtypeStruct((5, B), jnp.float32),
        scratch_types=[
            pltpu.VMEM((BPW,), jnp.int32),
            pltpu.VMEM((T,), jnp.float32),
            pltpu.VMEM((T,), jnp.float32),
            pltpu.VMEM((T,), jnp.float32),
            pltpu.VMEM((T,), jnp.float32),
            pltpu.VMEM((5, BPW), jnp.float32),
            pltpu.SemaphoreType.DMA,
        ],
        compiler_params=pltpu.CompilerParams(needs_layout_passes=False),
    )(_sc_body)
    return k(t, alpha_bar, sigma, sigma_sq, beta)


def kernel(t, alpha_bar, sigma, sigma_sq, beta):
    return _run(t.astype(jnp.int32), alpha_bar, sigma, sigma_sq, beta)

# --- scband reference (transcript-rebuilt; emitter-appended) ---
"""Pipeline reference for scband-linear-schedule-23012434772665 (READ-ONLY COPY).

The authoritative reference and input builder live on the scoring server;
editing this copy changes nothing except your own understanding.
"""

import jax, jax.numpy as jnp
import numpy as np


def _build_tables(T=1000, beta_min=0.0001, beta_max=0.02):
    # Precompute schedule buffers in float64 (as torch.linspace(..., dtype=float64)), then cast to float32
    beta = np.linspace(beta_min, beta_max, T, dtype=np.float64)
    alpha = 1.0 - beta
    alpha_bar = np.clip(np.cumprod(alpha), 1e-08, 1.0)
    sigma_sq = np.clip(1.0 - alpha_bar ** 2, 0.0, None)
    sigma = np.sqrt(sigma_sq)
    return (jnp.asarray(alpha_bar, dtype=jnp.float32),
            jnp.asarray(sigma, dtype=jnp.float32),
            jnp.asarray(sigma_sq, dtype=jnp.float32),
            jnp.asarray(beta, dtype=jnp.float32))


def setup_inputs(seed: int = 0) -> dict:
    key = jax.random.key(seed)
    T = 1000
    B = 16384
    t = jax.random.randint(key, (B,), 0, T)
    alpha_bar, sigma, sigma_sq, beta = _build_tables(T=T, beta_min=0.0001, beta_max=0.02)
    return {"t": t, "alpha_bar": alpha_bar, "sigma": sigma, "sigma_sq": sigma_sq, "beta": beta}


def reference(t, alpha_bar, sigma, sigma_sq, beta):
    # LinearSchedule lookups: alpha_bar(t), sigma(t), sigma_squared(t), beta(t), snr(t)
    idx = t.astype(jnp.int32)
    ab = jnp.take(alpha_bar, idx, axis=0)
    s = jnp.take(sigma, idx, axis=0)
    s2 = jnp.take(sigma_sq, idx, axis=0)
    b = jnp.take(beta, idx, axis=0)
    snr = ab ** 2 / jnp.clip(s2, 1e-20, None)
    return jnp.stack([ab, s, s2, b, snr], axis=0)

if __name__ == "__main__":
    import jax
    _d = setup_inputs()
    print(jax.jit(kernel)(*tuple(_d.values())))

</pallas_src>

<mosaic_0001>
#map = affine_map<(d0, d1) -> (0)>
#map1 = affine_map<(d0, d1) -> (0, 0)>
module attributes {stable_mosaic.version = 14 : i64} {
  func.func @_sc_body(%arg0: i32, %arg1: i32, %arg2: memref<16384xi32, #tpu.memory_space<hbm>>, %arg3: memref<1000xf32, #tpu.memory_space<hbm>>, %arg4: memref<1000xf32, #tpu.memory_space<hbm>>, %arg5: memref<1000xf32, #tpu.memory_space<hbm>>, %arg6: memref<1000xf32, #tpu.memory_space<hbm>>, %arg7: memref<5x16384xf32, #tpu.memory_space<hbm>>, %arg8: memref<1024xi32, #tpu.memory_space<vmem>>, %arg9: memref<1000xf32, #tpu.memory_space<vmem>>, %arg10: memref<1000xf32, #tpu.memory_space<vmem>>, %arg11: memref<1000xf32, #tpu.memory_space<vmem>>, %arg12: memref<1000xf32, #tpu.memory_space<vmem>>, %arg13: memref<5x1024xf32, #tpu.memory_space<vmem>>, %arg14: memref<!tpu.dma_semaphore, #tpu.memory_space<semaphore_mem>>) attributes {dimension_semantics = [#tpu.dimension_semantics<core_parallel>, #tpu.dimension_semantics<subcore_parallel>], iteration_bounds = array<i64: 1, 16>, scalar_prefetch = 0 : i64, scratch_operands = 7 : i64, tpu.core_type = #tpu.core_type<sc_vector_subcore>, window_params = [{transform_indices = #map}, {transform_indices = #map}, {transform_indices = #map}, {transform_indices = #map}, {transform_indices = #map}, {transform_indices = #map1}]} {
    %mul3A = arith.constant 1 : i32
    %mul3A_0 = arith.muli %arg1, %mul3A : i32
    %add3A = arith.addi %mul3A_0, %arg0 : i32
    %mul3A_1 = arith.constant 1024 : i32
    %mul3A_2 = arith.muli %add3A, %mul3A_1 : i32
    %dma_start3A = tpu.memref_slice %arg2[%mul3A_2] : memref<16384xi32, #tpu.memory_space<hbm>> -> memref<1024xi32, #tpu.memory_space<hbm>>
    %dma_start3A_3 = tpu.memref_slice %arg2[%mul3A_2] : memref<16384xi32, #tpu.memory_space<hbm>> -> memref<1024xi32, #tpu.memory_space<hbm>>
    tpu.enqueue_dma source(%dma_start3A_3 : memref<1024xi32, #tpu.memory_space<hbm>>) target(%arg8 : memref<1024xi32, #tpu.memory_space<vmem>>) target_semaphore(%arg14 : memref<!tpu.dma_semaphore, #tpu.memory_space<semaphore_mem>>)
    tpu.enqueue_dma source(%arg3 : memref<1000xf32, #tpu.memory_space<hbm>>) target(%arg9 : memref<1000xf32, #tpu.memory_space<vmem>>) target_semaphore(%arg14 : memref<!tpu.dma_semaphore, #tpu.memory_space<semaphore_mem>>)
    tpu.enqueue_dma source(%arg4 : memref<1000xf32, #tpu.memory_space<hbm>>) target(%arg10 : memref<1000xf32, #tpu.memory_space<vmem>>) target_semaphore(%arg14 : memref<!tpu.dma_semaphore, #tpu.memory_space<semaphore_mem>>)
    tpu.enqueue_dma source(%arg5 : memref<1000xf32, #tpu.memory_space<hbm>>) target(%arg11 : memref<1000xf32, #tpu.memory_space<vmem>>) target_semaphore(%arg14 : memref<!tpu.dma_semaphore, #tpu.memory_space<semaphore_mem>>)
    tpu.enqueue_dma source(%arg6 : memref<1000xf32, #tpu.memory_space<hbm>>) target(%arg12 : memref<1000xf32, #tpu.memory_space<vmem>>) target_semaphore(%arg14 : memref<!tpu.dma_semaphore, #tpu.memory_space<semaphore_mem>>)
    %dma_wait3A = tpu.memref_slice %arg2[%mul3A_2] : memref<16384xi32, #tpu.memory_space<hbm>> -> memref<1024xi32, #tpu.memory_space<hbm>>
    %dma_wait3A_4 = tpu.memref_slice %arg2[%mul3A_2] : memref<16384xi32, #tpu.memory_space<hbm>> -> memref<1024xi32, #tpu.memory_space<hbm>>
    tpu.wait_dma2 semaphore(%arg14 : memref<!tpu.dma_semaphore, #tpu.memory_space<semaphore_mem>>) src(%dma_wait3A_4 : memref<1024xi32, #tpu.memory_space<hbm>>) dst(%arg8 : memref<1024xi32, #tpu.memory_space<vmem>>)
    tpu.wait_dma2 semaphore(%arg14 : memref<!tpu.dma_semaphore, #tpu.memory_space<semaphore_mem>>) src(%arg3 : memref<1000xf32, #tpu.memory_space<hbm>>) dst(%arg9 : memref<1000xf32, #tpu.memory_space<vmem>>)
    tpu.wait_dma2 semaphore(%arg14 : memref<!tpu.dma_semaphore, #tpu.memory_space<semaphore_mem>>) src(%arg4 : memref<1000xf32, #tpu.memory_space<hbm>>) dst(%arg10 : memref<1000xf32, #tpu.memory_space<vmem>>)
    tpu.wait_dma2 semaphore(%arg14 : memref<!tpu.dma_semaphore, #tpu.memory_space<semaphore_mem>>) src(%arg5 : memref<1000xf32, #tpu.memory_space<hbm>>) dst(%arg11 : memref<1000xf32, #tpu.memory_space<vmem>>)
    tpu.wait_dma2 semaphore(%arg14 : memref<!tpu.dma_semaphore, #tpu.memory_space<semaphore_mem>>) src(%arg6 : memref<1000xf32, #tpu.memory_space<hbm>>) dst(%arg12 : memref<1000xf32, #tpu.memory_space<vmem>>)
    %scan3A = arith.constant 0 : i32
    %scan3A_5 = arith.constant 0 : i32
    %scan3A_6 = arith.constant 64 : i32
    %scan3A_7 = arith.addi %scan3A_5, %scan3A_6 : i32
    %scan3A_8 = arith.constant 8 : i32
    scf.for %scan3A_18 = %scan3A_5 to %scan3A_7 step %scan3A_8  : i32 {
      %mul3A_19 = arith.constant 16 : i32
      %mul3A_20 = arith.muli %scan3A_18, %mul3A_19 : i32
      %get3A = arith.index_cast %mul3A_20 : i32 to index
      %get3A_21 = tpu.vector_load %arg8[%get3A] {strides = array<i32>} : memref<1024xi32, #tpu.memory_space<vmem>>, vector<16xi32>,
      %gather3A = tpu.vector_load_idx %arg9[%get3A_21] : memref<1000xf32, #tpu.memory_space<vmem>>[vector<16xi32>], vector<16xf32>,
      %gather3A_22 = tpu.vector_load_idx %arg10[%get3A_21] : memref<1000xf32, #tpu.memory_space<vmem>>[vector<16xi32>], vector<16xf32>,
      %gather3A_23 = tpu.vector_load_idx %arg11[%get3A_21] : memref<1000xf32, #tpu.memory_space<vmem>>[vector<16xi32>], vector<16xf32>,
      %gather3A_24 = tpu.vector_load_idx %arg12[%get3A_21] : memref<1000xf32, #tpu.memory_space<vmem>>[vector<16xi32>], vector<16xf32>,
      %mul3A_25 = arith.mulf %gather3A, %gather3A : vector<16xf32>
      %max3A = arith.constant 9.99999968E-21 : f32
      %max3A_26 = vector.broadcast %max3A : f32 to vector<16xf32>
      %max3A_27 = arith.maximumf %gather3A_23, %max3A_26 : vector<16xf32>
      %div3A = arith.divf %mul3A_25, %max3A_27 : vector<16xf32>
      %swap3A = arith.constant 0 : i32
      %swap3A_28 = arith.index_cast %swap3A : i32 to index
      %swap3A_29 = arith.index_cast %mul3A_20 : i32 to index
      %swap3A_30 = tpu.vector_load %arg13[%swap3A_28, %swap3A_29] {strides = array<i32>} : memref<5x1024xf32, #tpu.memory_space<vmem>>, vector<16xf32>,
      tpu.vector_store %arg13[%swap3A_28, %swap3A_29], %gather3A {strides = array<i32>} : memref<5x1024xf32, #tpu.memory_space<vmem>>, vector<16xf32>,
      %swap3A_31 = arith.constant 1 : i32
      %swap3A_32 = arith.index_cast %swap3A_31 : i32 to index
      %swap3A_33 = arith.index_cast %mul3A_20 : i32 to index
      %swap3A_34 = tpu.vector_load %arg13[%swap3A_32, %swap3A_33] {strides = array<i32>} : memref<5x1024xf32, #tpu.memory_space<vmem>>, vector<16xf32>,
      tpu.vector_store %arg13[%swap3A_32, %swap3A_33], %gather3A_22 {strides = array<i32>} : memref<5x1024xf32, #tpu.memory_space<vmem>>, vector<16xf32>,
      %swap3A_35 = arith.constant 2 : i32
      %swap3A_36 = arith.index_cast %swap3A_35 : i32 to index
      %swap3A_37 = arith.index_cast %mul3A_20 : i32 to index
      %swap3A_38 = tpu.vector_load %arg13[%swap3A_36, %swap3A_37] {strides = array<i32>} : memref<5x1024xf32, #tpu.memory_space<vmem>>, vector<16xf32>,
      tpu.vector_store %arg13[%swap3A_36, %swap3A_37], %gather3A_23 {strides = array<i32>} : memref<5x1024xf32, #tpu.memory_space<vmem>>, vector<16xf32>,
      %swap3A_39 = arith.constant 3 : i32
      %swap3A_40 = arith.index_cast %swap3A_39 : i32 to index
      %swap3A_41 = arith.index_cast %mul3A_20 : i32 to index
      %swap3A_42 = tpu.vector_load %arg13[%swap3A_40, %swap3A_41] {strides = array<i32>} : memref<5x1024xf32, #tpu.memory_space<vmem>>, vector<16xf32>,
      tpu.vector_store %arg13[%swap3A_40, %swap3A_41], %gather3A_24 {strides = array<i32>} : memref<5x1024xf32, #tpu.memory_space<vmem>>, vector<16xf32>,
      %swap3A_43 = arith.constant 4 : i32
      %swap3A_44 = arith.index_cast %swap3A_43 : i32 to index
      %swap3A_45 = arith.index_cast %mul3A_20 : i32 to index
      %swap3A_46 = tpu.vector_load %arg13[%swap3A_44, %swap3A_45] {strides = array<i32>} : memref<5x1024xf32, #tpu.memory_space<vmem>>, vector<16xf32>,
      tpu.vector_store %arg13[%swap3A_44, %swap3A_45], %div3A {strides = array<i32>} : memref<5x1024xf32, #tpu.memory_space<vmem>>, vector<16xf32>,
      %scan3A_47 = arith.constant 1 : i32
      %scan3A_48 = arith.addi %scan3A_18, %scan3A_47 : i32
      %mul3A_49 = arith.constant 16 : i32
      %mul3A_50 = arith.muli %scan3A_48, %mul3A_49 : i32
      %get3A_51 = arith.index_cast %mul3A_50 : i32 to index
      %get3A_52 = tpu.vector_load %arg8[%get3A_51] {strides = array<i32>} : memref<1024xi32, #tpu.memory_space<vmem>>, vector<16xi32>,
      %gather3A_53 = tpu.vector_load_idx %arg9[%get3A_52] : memref<1000xf32, #tpu.memory_space<vmem>>[vector<16xi32>], vector<16xf32>,
      %gather3A_54 = tpu.vector_load_idx %arg10[%get3A_52] : memref<1000xf32, #tpu.memory_space<vmem>>[vector<16xi32>], vector<16xf32>,
      %gather3A_55 = tpu.vector_load_idx %arg11[%get3A_52] : memref<1000xf32, #tpu.memory_space<vmem>>[vector<16xi32>], vector<16xf32>,
      %gather3A_56 = tpu.vector_load_idx %arg12[%get3A_52] : memref<1000xf32, #tpu.memory_space<vmem>>[vector<16xi32>], vector<16xf32>,
      %mul3A_57 = arith.mulf %gather3A_53, %gather3A_53 : vector<16xf32>
      %max3A_58 = arith.constant 9.99999968E-21 : f32
      %max3A_59 = vector.broadcast %max3A_58 : f32 to vector<16xf32>
      %max3A_60 = arith.maximumf %gather3A_55, %max3A_59 : vector<16xf32>
      %div3A_61 = arith.divf %mul3A_57, %max3A_60 : vector<16xf32>
      %swap3A_62 = arith.constant 0 : i32
      %swap3A_63 = arith.index_cast %swap3A_62 : i32 to index
      %swap3A_64 = arith.index_cast %mul3A_50 : i32 to index
      %swap3A_65 = tpu.vector_load %arg13[%swap3A_63, %swap3A_64] {strides = array<i32>} : memref<5x1024xf32, #tpu.memory_space<vmem>>, vector<16xf32>,
      tpu.vector_store %arg13[%swap3A_63, %swap3A_64], %gather3A_53 {strides = array<i32>} : memref<5x1024xf32, #tpu.memory_space<vmem>>, vector<16xf32>,
      %swap3A_66 = arith.constant 1 : i32
      %swap3A_67 = arith.index_cast %swap3A_66 : i32 to index
      %swap3A_68 = arith.index_cast %mul3A_50 : i32 to index
      %swap3A_69 = tpu.vector_load %arg13[%swap3A_67, %swap3A_68] {strides = array<i32>} : memref<5x1024xf32, #tpu.memory_space<vmem>>, vector<16xf32>,
      tpu.vector_store %arg13[%swap3A_67, %swap3A_68], %gather3A_54 {strides = array<i32>} : memref<5x1024xf32, #tpu.memory_space<vmem>>, vector<16xf32>,
      %swap3A_70 = arith.constant 2 : i32
      %swap3A_71 = arith.index_cast %swap3A_70 : i32 to index
      %swap3A_72 = arith.index_cast %mul3A_50 : i32 to index
      %swap3A_73 = tpu.vector_load %arg13[%swap3A_71, %swap3A_72] {strides = array<i32>} : memref<5x1024xf32, #tpu.memory_space<vmem>>, vector<16xf32>,
      tpu.vector_store %arg13[%swap3A_71, %swap3A_72], %gather3A_55 {strides = array<i32>} : memref<5x1024xf32, #tpu.memory_space<vmem>>, vector<16xf32>,
      %swap3A_74 = arith.constant 3 : i32
      %swap3A_75 = arith.index_cast %swap3A_74 : i32 to index
      %swap3A_76 = arith.index_cast %mul3A_50 : i32 to index
      %swap3A_77 = tpu.vector_load %arg13[%swap3A_75, %swap3A_76] {strides = array<i32>} : memref<5x1024xf32, #tpu.memory_space<vmem>>, vector<16xf32>,
      tpu.vector_store %arg13[%swap3A_75, %swap3A_76], %gather3A_56 {strides = array<i32>} : memref<5x1024xf32, #tpu.memory_space<vmem>>, vector<16xf32>,
      %swap3A_78 = arith.constant 4 : i32
      %swap3A_79 = arith.index_cast %swap3A_78 : i32 to index
      %swap3A_80 = arith.index_cast %mul3A_50 : i32 to index
      %swap3A_81 = tpu.vector_load %arg13[%swap3A_79, %swap3A_80] {strides = array<i32>} : memref<5x1024xf32, #tpu.memory_space<vmem>>, vector<16xf32>,
      tpu.vector_store %arg13[%swap3A_79, %swap3A_80], %div3A_61 {strides = array<i32>} : memref<5x1024xf32, #tpu.memory_space<vmem>>, vector<16xf32>,
      %scan3A_82 = arith.constant 2 : i32
      %scan3A_83 = arith.addi %scan3A_18, %scan3A_82 : i32
      %mul3A_84 = arith.constant 16 : i32
      %mul3A_85 = arith.muli %scan3A_83, %mul3A_84 : i32
      %get3A_86 = arith.index_cast %mul3A_85 : i32 to index
      %get3A_87 = tpu.vector_load %arg8[%get3A_86] {strides = array<i32>} : memref<1024xi32, #tpu.memory_space<vmem>>, vector<16xi32>,
      %gather3A_88 = tpu.vector_load_idx %arg9[%get3A_87] : memref<1000xf32, #tpu.memory_space<vmem>>[vector<16xi32>], vector<16xf32>,
      %gather3A_89 = tpu.vector_load_idx %arg10[%get3A_87] : memref<1000xf32, #tpu.memory_space<vmem>>[vector<16xi32>], vector<16xf32>,
      %gather3A_90 = tpu.vector_load_idx %arg11[%get3A_87] : memref<1000xf32, #tpu.memory_space<vmem>>[vector<16xi32>], vector<16xf32>,
      %gather3A_91 = tpu.vector_load_idx %arg12[%get3A_87] : memref<1000xf32, #tpu.memory_space<vmem>>[vector<16xi32>], vector<16xf32>,
      %mul3A_92 = arith.mulf %gather3A_88, %gather3A_88 : vector<16xf32>
      %max3A_93 = arith.constant 9.99999968E-21 : f32
      %max3A_94 = vector.broadcast %max3A_93 : f32 to vector<16xf32>
      %max3A_95 = arith.maximumf %gather3A_90, %max3A_94 : vector<16xf32>
      %div3A_96 = arith.divf %mul3A_92, %max3A_95 : vector<16xf32>
      %swap3A_97 = arith.constant 0 : i32
      %swap3A_98 = arith.index_cast %swap3A_97 : i32 to index
      %swap3A_99 = arith.index_cast %mul3A_85 : i32 to index
      %swap3A_100 = tpu.vector_load %arg13[%swap3A_98, %swap3A_99] {strides = array<i32>} : memref<5x1024xf32, #tpu.memory_space<vmem>>, vector<16xf32>,
      tpu.vector_store %arg13[%swap3A_98, %swap3A_99], %gather3A_88 {strides = array<i32>} : memref<5x1024xf32, #tpu.memory_space<vmem>>, vector<16xf32>,
      %swap3A_101 = arith.constant 1 : i32
      %swap3A_102 = arith.index_cast %swap3A_101 : i32 to index
      %swap3A_103 = arith.index_cast %mul3A_85 : i32 to index
      %swap3A_104 = tpu.vector_load %arg13[%swap3A_102, %swap3A_103] {strides = array<i32>} : memref<5x1024xf32, #tpu.memory_space<vmem>>, vector<16xf32>,
      tpu.vector_store %arg13[%swap3A_102, %swap3A_103], %gather3A_89 {strides = array<i32>} : memref<5x1024xf32, #tpu.memory_space<vmem>>, vector<16xf32>,
      %swap3A_105 = arith.constant 2 : i32
      %swap3A_106 = arith.index_cast %swap3A_105 : i32 to index
      %swap3A_107 = arith.index_cast %mul3A_85 : i32 to index
      %swap3A_108 = tpu.vector_load %arg13[%swap3A_106, %swap3A_107] {strides = array<i32>} : memref<5x1024xf32, #tpu.memory_space<vmem>>, vector<16xf32>,
      tpu.vector_store %arg13[%swap3A_106, %swap3A_107], %gather3A_90 {strides = array<i32>} : memref<5x1024xf32, #tpu.memory_space<vmem>>, vector<16xf32>,
      %swap3A_109 = arith.constant 3 : i32
      %swap3A_110 = arith.index_cast %swap3A_109 : i32 to index
      %swap3A_111 = arith.index_cast %mul3A_85 : i32 to index
      %swap3A_112 = tpu.vector_load %arg13[%swap3A_110, %swap3A_111] {strides = array<i32>} : memref<5x1024xf32, #tpu.memory_space<vmem>>, vector<16xf32>,
      tpu.vector_store %arg13[%swap3A_110, %swap3A_111], %gather3A_91 {strides = array<i32>} : memref<5x1024xf32, #tpu.memory_space<vmem>>, vector<16xf32>,
      %swap3A_113 = arith.constant 4 : i32
      %swap3A_114 = arith.index_cast %swap3A_113 : i32 to index
      %swap3A_115 = arith.index_cast %mul3A_85 : i32 to index
      %swap3A_116 = tpu.vector_load %arg13[%swap3A_114, %swap3A_115] {strides = array<i32>} : memref<5x1024xf32, #tpu.memory_space<vmem>>, vector<16xf32>,
      tpu.vector_store %arg13[%swap3A_114, %swap3A_115], %div3A_96 {strides = array<i32>} : memref<5x1024xf32, #tpu.memory_space<vmem>>, vector<16xf32>,
      %scan3A_117 = arith.constant 3 : i32
      %scan3A_118 = arith.addi %scan3A_18, %scan3A_117 : i32
      %mul3A_119 = arith.constant 16 : i32
      %mul3A_120 = arith.muli %scan3A_118, %mul3A_119 : i32
      %get3A_121 = arith.index_cast %mul3A_120 : i32 to index
      %get3A_122 = tpu.vector_load %arg8[%get3A_121] {strides = array<i32>} : memref<1024xi32, #tpu.memory_space<vmem>>, vector<16xi32>,
      %gather3A_123 = tpu.vector_load_idx %arg9[%get3A_122] : memref<1000xf32, #tpu.memory_space<vmem>>[vector<16xi32>], vector<16xf32>,
      %gather3A_124 = tpu.vector_load_idx %arg10[%get3A_122] : memref<1000xf32, #tpu.memory_space<vmem>>[vector<16xi32>], vector<16xf32>,
      %gather3A_125 = tpu.vector_load_idx %arg11[%get3A_122] : memref<1000xf32, #tpu.memory_space<vmem>>[vector<16xi32>], vector<16xf32>,
      %gather3A_126 = tpu.vector_load_idx %arg12[%get3A_122] : memref<1000xf32, #tpu.memory_space<vmem>>[vector<16xi32>], vector<16xf32>,
      %mul3A_127 = arith.mulf %gather3A_123, %gather3A_123 : vector<16xf32>
      %max3A_128 = arith.constant 9.99999968E-21 : f32
      %max3A_129 = vector.broadcast %max3A_128 : f32 to vector<16xf32>
      %max3A_130 = arith.maximumf %gather3A_125, %max3A_129 : vector<16xf32>
      %div3A_131 = arith.divf %mul3A_127, %max3A_130 : vector<16xf32>
      %swap3A_132 = arith.constant 0 : i32
      %swap3A_133 = arith.index_cast %swap3A_132 : i32 to index
      %swap3A_134 = arith.index_cast %mul3A_120 : i32 to index
      %swap3A_135 = tpu.vector_load %arg13[%swap3A_133, %swap3A_134] {strides = array<i32>} : memref<5x1024xf32, #tpu.memory_space<vmem>>, vector<16xf32>,
      tpu.vector_store %arg13[%swap3A_133, %swap3A_134], %gather3A_123 {strides = array<i32>} : memref<5x1024xf32, #tpu.memory_space<vmem>>, vector<16xf32>,
      %swap3A_136 = arith.constant 1 : i32
      %swap3A_137 = arith.index_cast %swap3A_136 : i32 to index
      %swap3A_138 = arith.index_cast %mul3A_120 : i32 to index
      %swap3A_139 = tpu.vector_load %arg13[%swap3A_137, %swap3A_138] {strides = array<i32>} : memref<5x1024xf32, #tpu.memory_space<vmem>>, vector<16xf32>,
      tpu.vector_store %arg13[%swap3A_137, %swap3A_138], %gather3A_124 {strides = array<i32>} : memref<5x1024xf32, #tpu.memory_space<vmem>>, vector<16xf32>,
      %swap3A_140 = arith.constant 2 : i32
      %swap3A_141 = arith.index_cast %swap3A_140 : i32 to index
      %swap3A_142 = arith.index_cast %mul3A_120 : i32 to index
      %swap3A_143 = tpu.vector_load %arg13[%swap3A_141, %swap3A_142] {strides = array<i32>} : memref<5x1024xf32, #tpu.memory_space<vmem>>, vector<16xf32>,
      tpu.vector_store %arg13[%swap3A_141, %swap3A_142], %gather3A_125 {strides = array<i32>} : memref<5x1024xf32, #tpu.memory_space<vmem>>, vector<16xf32>,
      %swap3A_144 = arith.constant 3 : i32
      %swap3A_145 = arith.index_cast %swap3A_144 : i32 to index
      %swap3A_146 = arith.index_cast %mul3A_120 : i32 to index
      %swap3A_147 = tpu.vector_load %arg13[%swap3A_145, %swap3A_146] {strides = array<i32>} : memref<5x1024xf32, #tpu.memory_space<vmem>>, vector<16xf32>,
      tpu.vector_store %arg13[%swap3A_145, %swap3A_146], %gather3A_126 {strides = array<i32>} : memref<5x1024xf32, #tpu.memory_space<vmem>>, vector<16xf32>,
      %swap3A_148 = arith.constant 4 : i32
      %swap3A_149 = arith.index_cast %swap3A_148 : i32 to index
      %swap3A_150 = arith.index_cast %mul3A_120 : i32 to index
      %swap3A_151 = tpu.vector_load %arg13[%swap3A_149, %swap3A_150] {strides = array<i32>} : memref<5x1024xf32, #tpu.memory_space<vmem>>, vector<16xf32>,
      tpu.vector_store %arg13[%swap3A_149, %swap3A_150], %div3A_131 {strides = array<i32>} : memref<5x1024xf32, #tpu.memory_space<vmem>>, vector<16xf32>,
      %scan3A_152 = arith.constant 4 : i32
      %scan3A_153 = arith.addi %scan3A_18, %scan3A_152 : i32
      %mul3A_154 = arith.constant 16 : i32
      %mul3A_155 = arith.muli %scan3A_153, %mul3A_154 : i32
      %get3A_156 = arith.index_cast %mul3A_155 : i32 to index
      %get3A_157 = tpu.vector_load %arg8[%get3A_156] {strides = array<i32>} : memref<1024xi32, #tpu.memory_space<vmem>>, vector<16xi32>,
      %gather3A_158 = tpu.vector_load_idx %arg9[%get3A_157] : memref<1000xf32, #tpu.memory_space<vmem>>[vector<16xi32>], vector<16xf32>,
      %gather3A_159 = tpu.vector_load_idx %arg10[%get3A_157] : memref<1000xf32, #tpu.memory_space<vmem>>[vector<16xi32>], vector<16xf32>,
      %gather3A_160 = tpu.vector_load_idx %arg11[%get3A_157] : memref<1000xf32, #tpu.memory_space<vmem>>[vector<16xi32>], vector<16xf32>,
      %gather3A_161 = tpu.vector_load_idx %arg12[%get3A_157] : memref<1000xf32, #tpu.memory_space<vmem>>[vector<16xi32>], vector<16xf32>,
      %mul3A_162 = arith.mulf %gather3A_158, %gather3A_158 : vector<16xf32>
      %max3A_163 = arith.constant 9.99999968E-21 : f32
      %max3A_164 = vector.broadcast %max3A_163 : f32 to vector<16xf32>
      %max3A_165 = arith.maximumf %gather3A_160, %max3A_164 : vector<16xf32>
      %div3A_166 = arith.divf %mul3A_162, %max3A_165 : vector<16xf32>
      %swap3A_167 = arith.constant 0 : i32
      %swap3A_168 = arith.index_cast %swap3A_167 : i32 to index
      %swap3A_169 = arith.index_cast %mul3A_155 : i32 to index
      %swap3A_170 = tpu.vector_load %arg13[%swap3A_168, %swap3A_169] {strides = array<i32>} : memref<5x1024xf32, #tpu.memory_space<vmem>>, vector<16xf32>,
      tpu.vector_store %arg13[%swap3A_168, %swap3A_169], %gather3A_158 {strides = array<i32>} : memref<5x1024xf32, #tpu.memory_space<vmem>>, vector<16xf32>,
      %swap3A_171 = arith.constant 1 : i32
      %swap3A_172 = arith.index_cast %swap3A_171 : i32 to index
      %swap3A_173 = arith.index_cast %mul3A_155 : i32 to index
      %swap3A_174 = tpu.vector_load %arg13[%swap3A_172, %swap3A_173] {strides = array<i32>} : memref<5x1024xf32, #tpu.memory_space<vmem>>, vector<16xf32>,
      tpu.vector_store %arg13[%swap3A_172, %swap3A_173], %gather3A_159 {strides = array<i32>} : memref<5x1024xf32, #tpu.memory_space<vmem>>, vector<16xf32>,
      %swap3A_175 = arith.constant 2 : i32
      %swap3A_176 = arith.index_cast %swap3A_175 : i32 to index
      %swap3A_177 = arith.index_cast %mul3A_155 : i32 to index
      %swap3A_178 = tpu.vector_load %arg13[%swap3A_176, %swap3A_177] {strides = array<i32>} : memref<5x1024xf32, #tpu.memory_space<vmem>>, vector<16xf32>,
      tpu.vector_store %arg13[%swap3A_176, %swap3A_177], %gather3A_160 {strides = array<i32>} : memref<5x1024xf32, #tpu.memory_space<vmem>>, vector<16xf32>,
      %swap3A_179 = arith.constant 3 : i32
      %swap3A_180 = arith.index_cast %swap3A_179 : i32 to index
      %swap3A_181 = arith.index_cast %mul3A_155 : i32 to index
      %swap3A_182 = tpu.vector_load %arg13[%swap3A_180, %swap3A_181] {strides = array<i32>} : memref<5x1024xf32, #tpu.memory_space<vmem>>, vector<16xf32>,
      tpu.vector_store %arg13[%swap3A_180, %swap3A_181], %gather3A_161 {strides = array<i32>} : memref<5x1024xf32, #tpu.memory_space<vmem>>, vector<16xf32>,
      %swap3A_183 = arith.constant 4 : i32
      %swap3A_184 = arith.index_cast %swap3A_183 : i32 to index
      %swap3A_185 = arith.index_cast %mul3A_155 : i32 to index
      %swap3A_186 = tpu.vector_load %arg13[%swap3A_184, %swap3A_185] {strides = array<i32>} : memref<5x1024xf32, #tpu.memory_space<vmem>>, vector<16xf32>,
      tpu.vector_store %arg13[%swap3A_184, %swap3A_185], %div3A_166 {strides = array<i32>} : memref<5x1024xf32, #tpu.memory_space<vmem>>, vector<16xf32>,
      %scan3A_187 = arith.constant 5 : i32
      %scan3A_188 = arith.addi %scan3A_18, %scan3A_187 : i32
      %mul3A_189 = arith.constant 16 : i32
      %mul3A_190 = arith.muli %scan3A_188, %mul3A_189 : i32
      %get3A_191 = arith.index_cast %mul3A_190 : i32 to index
      %get3A_192 = tpu.vector_load %arg8[%get3A_191] {strides = array<i32>} : memref<1024xi32, #tpu.memory_space<vmem>>, vector<16xi32>,
      %gather3A_193 = tpu.vector_load_idx %arg9[%get3A_192] : memref<1000xf32, #tpu.memory_space<vmem>>[vector<16xi32>], vector<16xf32>,
      %gather3A_194 = tpu.vector_load_idx %arg10[%get3A_192] : memref<1000xf32, #tpu.memory_space<vmem>>[vector<16xi32>], vector<16xf32>,
      %gather3A_195 = tpu.vector_load_idx %arg11[%get3A_192] : memref<1000xf32, #tpu.memory_space<vmem>>[vector<16xi32>], vector<16xf32>,
      %gather3A_196 = tpu.vector_load_idx %arg12[%get3A_192] : memref<1000xf32, #tpu.memory_space<vmem>>[vector<16xi32>], vector<16xf32>,
      %mul3A_197 = arith.mulf %gather3A_193, %gather3A_193 : vector<16xf32>
      %max3A_198 = arith.constant 9.99999968E-21 : f32
      %max3A_199 = vector.broadcast %max3A_198 : f32 to vector<16xf32>
      %max3A_200 = arith.maximumf %gather3A_195, %max3A_199 : vector<16xf32>
      %div3A_201 = arith.divf %mul3A_197, %max3A_200 : vector<16xf32>
      %swap3A_202 = arith.constant 0 : i32
      %swap3A_203 = arith.index_cast %swap3A_202 : i32 to index
      %swap3A_204 = arith.index_cast %mul3A_190 : i32 to index
      %swap3A_205 = tpu.vector_load %arg13[%swap3A_203, %swap3A_204] {strides = array<i32>} : memref<5x1024xf32, #tpu.memory_space<vmem>>, vector<16xf32>,
      tpu.vector_store %arg13[%swap3A_203, %swap3A_204], %gather3A_193 {strides = array<i32>} : memref<5x1024xf32, #tpu.memory_space<vmem>>, vector<16xf32>,
      %swap3A_206 = arith.constant 1 : i32
      %swap3A_207 = arith.index_cast %swap3A_206 : i32 to index
      %swap3A_208 = arith.index_cast %mul3A_190 : i32 to index
      %swap3A_209 = tpu.vector_load %arg13[%swap3A_207, %swap3A_208] {strides = array<i32>} : memref<5x1024xf32, #tpu.memory_space<vmem>>, vector<16xf32>,
      tpu.vector_store %arg13[%swap3A_207, %swap3A_208], %gather3A_194 {strides = array<i32>} : memref<5x1024xf32, #tpu.memory_space<vmem>>, vector<16xf32>,
      %swap3A_210 = arith.constant 2 : i32
      %swap3A_211 = arith.index_cast %swap3A_210 : i32 to index
      %swap3A_212 = arith.index_cast %mul3A_190 : i32 to index
      %swap3A_213 = tpu.vector_load %arg13[%swap3A_211, %swap3A_212] {strides = array<i32>} : memref<5x1024xf32, #tpu.memory_space<vmem>>, vector<16xf32>,
      tpu.vector_store %arg13[%swap3A_211, %swap3A_212], %gather3A_195 {strides = array<i32>} : memref<5x1024xf32, #tpu.memory_space<vmem>>, vector<16xf32>,
      %swap3A_214 = arith.constant 3 : i32
      %swap3A_215 = arith.index_cast %swap3A_214 : i32 to index
      %swap3A_216 = arith.index_cast %mul3A_190 : i32 to index
      %swap3A_217 = tpu.vector_load %arg13[%swap3A_215, %swap3A_216] {strides = array<i32>} : memref<5x1024xf32, #tpu.memory_space<vmem>>, vector<16xf32>,
      tpu.vector_store %arg13[%swap3A_215, %swap3A_216], %gather3A_196 {strides = array<i32>} : memref<5x1024xf32, #tpu.memory_space<vmem>>, vector<16xf32>,
      %swap3A_218 = arith.constant 4 : i32
      %swap3A_219 = arith.index_cast %swap3A_218 : i32 to index
      %swap3A_220 = arith.index_cast %mul3A_190 : i32 to index
      %swap3A_221 = tpu.vector_load %arg13[%swap3A_219, %swap3A_220] {strides = array<i32>} : memref<5x1024xf32, #tpu.memory_space<vmem>>, vector<16xf32>,
      tpu.vector_store %arg13[%swap3A_219, %swap3A_220], %div3A_201 {strides = array<i32>} : memref<5x1024xf32, #tpu.memory_space<vmem>>, vector<16xf32>,
      %scan3A_222 = arith.constant 6 : i32
      %scan3A_223 = arith.addi %scan3A_18, %scan3A_222 : i32
      %mul3A_224 = arith.constant 16 : i32
      %mul3A_225 = arith.muli %scan3A_223, %mul3A_224 : i32
      %get3A_226 = arith.index_cast %mul3A_225 : i32 to index
      %get3A_227 = tpu.vector_load %arg8[%get3A_226] {strides = array<i32>} : memref<1024xi32, #tpu.memory_space<vmem>>, vector<16xi32>,
      %gather3A_228 = tpu.vector_load_idx %arg9[%get3A_227] : memref<1000xf32, #tpu.memory_space<vmem>>[vector<16xi32>], vector<16xf32>,
      %gather3A_229 = tpu.vector_load_idx %arg10[%get3A_227] : memref<1000xf32, #tpu.memory_space<vmem>>[vector<16xi32>], vector<16xf32>,
      %gather3A_230 = tpu.vector_load_idx %arg11[%get3A_227] : memref<1000xf32, #tpu.memory_space<vmem>>[vector<16xi32>], vector<16xf32>,
      %gather3A_231 = tpu.vector_load_idx %arg12[%get3A_227] : memref<1000xf32, #tpu.memory_space<vmem>>[vector<16xi32>], vector<16xf32>,
      %mul3A_232 = arith.mulf %gather3A_228, %gather3A_228 : vector<16xf32>
      %max3A_233 = arith.constant 9.99999968E-21 : f32
      %max3A_234 = vector.broadcast %max3A_233 : f32 to vector<16xf32>
      %max3A_235 = arith.maximumf %gather3A_230, %max3A_234 : vector<16xf32>
      %div3A_236 = arith.divf %mul3A_232, %max3A_235 : vector<16xf32>
      %swap3A_237 = arith.constant 0 : i32
      %swap3A_238 = arith.index_cast %swap3A_237 : i32 to index
      %swap3A_239 = arith.index_cast %mul3A_225 : i32 to index
      %swap3A_240 = tpu.vector_load %arg13[%swap3A_238, %swap3A_239] {strides = array<i32>} : memref<5x1024xf32, #tpu.memory_space<vmem>>, vector<16xf32>,
      tpu.vector_store %arg13[%swap3A_238, %swap3A_239], %gather3A_228 {strides = array<i32>} : memref<5x1024xf32, #tpu.memory_space<vmem>>, vector<16xf32>,
      %swap3A_241 = arith.constant 1 : i32
      %swap3A_242 = arith.index_cast %swap3A_241 : i32 to index
      %swap3A_243 = arith.index_cast %mul3A_225 : i32 to index
      %swap3A_244 = tpu.vector_load %arg13[%swap3A_242, %swap3A_243] {strides = array<i32>} : memref<5x1024xf32, #tpu.memory_space<vmem>>, vector<16xf32>,
      tpu.vector_store %arg13[%swap3A_242, %swap3A_243], %gather3A_229 {strides = array<i32>} : memref<5x1024xf32, #tpu.memory_space<vmem>>, vector<16xf32>,
      %swap3A_245 = arith.constant 2 : i32
      %swap3A_246 = arith.index_cast %swap3A_245 : i32 to index
      %swap3A_247 = arith.index_cast %mul3A_225 : i32 to index
      %swap3A_248 = tpu.vector_load %arg13[%swap3A_246, %swap3A_247] {strides = array<i32>} : memref<5x1024xf32, #tpu.memory_space<vmem>>, vector<16xf32>,
      tpu.vector_store %arg13[%swap3A_246, %swap3A_247], %gather3A_230 {strides = array<i32>} : memref<5x1024xf32, #tpu.memory_space<vmem>>, vector<16xf32>,
      %swap3A_249 = arith.constant 3 : i32
      %swap3A_250 = arith.index_cast %swap3A_249 : i32 to index
      %swap3A_251 = arith.index_cast %mul3A_225 : i32 to index
      %swap3A_252 = tpu.vector_load %arg13[%swap3A_250, %swap3A_251] {strides = array<i32>} : memref<5x1024xf32, #tpu.memory_space<vmem>>, vector<16xf32>,
      tpu.vector_store %arg13[%swap3A_250, %swap3A_251], %gather3A_231 {strides = array<i32>} : memref<5x1024xf32, #tpu.memory_space<vmem>>, vector<16xf32>,
      %swap3A_253 = arith.constant 4 : i32
      %swap3A_254 = arith.index_cast %swap3A_253 : i32 to index
      %swap3A_255 = arith.index_cast %mul3A_225 : i32 to index
      %swap3A_256 = tpu.vector_load %arg13[%swap3A_254, %swap3A_255] {strides = array<i32>} : memref<5x1024xf32, #tpu.memory_space<vmem>>, vector<16xf32>,
      tpu.vector_store %arg13[%swap3A_254, %swap3A_255], %div3A_236 {strides = array<i32>} : memref<5x1024xf32, #tpu.memory_space<vmem>>, vector<16xf32>,
      %scan3A_257 = arith.constant 7 : i32
      %scan3A_258 = arith.addi %scan3A_18, %scan3A_257 : i32
      %mul3A_259 = arith.constant 16 : i32
      %mul3A_260 = arith.muli %scan3A_258, %mul3A_259 : i32
      %get3A_261 = arith.index_cast %mul3A_260 : i32 to index
      %get3A_262 = tpu.vector_load %arg8[%get3A_261] {strides = array<i32>} : memref<1024xi32, #tpu.memory_space<vmem>>, vector<16xi32>,
      %gather3A_263 = tpu.vector_load_idx %arg9[%get3A_262] : memref<1000xf32, #tpu.memory_space<vmem>>[vector<16xi32>], vector<16xf32>,
      %gather3A_264 = tpu.vector_load_idx %arg10[%get3A_262] : memref<1000xf32, #tpu.memory_space<vmem>>[vector<16xi32>], vector<16xf32>,
      %gather3A_265 = tpu.vector_load_idx %arg11[%get3A_262] : memref<1000xf32, #tpu.memory_space<vmem>>[vector<16xi32>], vector<16xf32>,
      %gather3A_266 = tpu.vector_load_idx %arg12[%get3A_262] : memref<1000xf32, #tpu.memory_space<vmem>>[vector<16xi32>], vector<16xf32>,
      %mul3A_267 = arith.mulf %gather3A_263, %gather3A_263 : vector<16xf32>
      %max3A_268 = arith.constant 9.99999968E-21 : f32
      %max3A_269 = vector.broadcast %max3A_268 : f32 to vector<16xf32>
      %max3A_270 = arith.maximumf %gather3A_265, %max3A_269 : vector<16xf32>
      %div3A_271 = arith.divf %mul3A_267, %max3A_270 : vector<16xf32>
      %swap3A_272 = arith.constant 0 : i32
      %swap3A_273 = arith.index_cast %swap3A_272 : i32 to index
      %swap3A_274 = arith.index_cast %mul3A_260 : i32 to index
      %swap3A_275 = tpu.vector_load %arg13[%swap3A_273, %swap3A_274] {strides = array<i32>} : memref<5x1024xf32, #tpu.memory_space<vmem>>, vector<16xf32>,
      tpu.vector_store %arg13[%swap3A_273, %swap3A_274], %gather3A_263 {strides = array<i32>} : memref<5x1024xf32, #tpu.memory_space<vmem>>, vector<16xf32>,
      %swap3A_276 = arith.constant 1 : i32
      %swap3A_277 = arith.index_cast %swap3A_276 : i32 to index
      %swap3A_278 = arith.index_cast %mul3A_260 : i32 to index
      %swap3A_279 = tpu.vector_load %arg13[%swap3A_277, %swap3A_278] {strides = array<i32>} : memref<5x1024xf32, #tpu.memory_space<vmem>>, vector<16xf32>,
      tpu.vector_store %arg13[%swap3A_277, %swap3A_278], %gather3A_264 {strides = array<i32>} : memref<5x1024xf32, #tpu.memory_space<vmem>>, vector<16xf32>,
      %swap3A_280 = arith.constant 2 : i32
      %swap3A_281 = arith.index_cast %swap3A_280 : i32 to index
      %swap3A_282 = arith.index_cast %mul3A_260 : i32 to index
      %swap3A_283 = tpu.vector_load %arg13[%swap3A_281, %swap3A_282] {strides = array<i32>} : memref<5x1024xf32, #tpu.memory_space<vmem>>, vector<16xf32>,
      tpu.vector_store %arg13[%swap3A_281, %swap3A_282], %gather3A_265 {strides = array<i32>} : memref<5x1024xf32, #tpu.memory_space<vmem>>, vector<16xf32>,
      %swap3A_284 = arith.constant 3 : i32
      %swap3A_285 = arith.index_cast %swap3A_284 : i32 to index
      %swap3A_286 = arith.index_cast %mul3A_260 : i32 to index
      %swap3A_287 = tpu.vector_load %arg13[%swap3A_285, %swap3A_286] {strides = array<i32>} : memref<5x1024xf32, #tpu.memory_space<vmem>>, vector<16xf32>,
      tpu.vector_store %arg13[%swap3A_285, %swap3A_286], %gather3A_266 {strides = array<i32>} : memref<5x1024xf32, #tpu.memory_space<vmem>>, vector<16xf32>,
      %swap3A_288 = arith.constant 4 : i32
      %swap3A_289 = arith.index_cast %swap3A_288 : i32 to index
      %swap3A_290 = arith.index_cast %mul3A_260 : i32 to index
      %swap3A_291 = tpu.vector_load %arg13[%swap3A_289, %swap3A_290] {strides = array<i32>} : memref<5x1024xf32, #tpu.memory_space<vmem>>, vector<16xf32>,
      tpu.vector_store %arg13[%swap3A_289, %swap3A_290], %div3A_271 {strides = array<i32>} : memref<5x1024xf32, #tpu.memory_space<vmem>>, vector<16xf32>,
    }
    %scan3A_9 = arith.constant 64 : i32
    %dma_start3A_10 = arith.constant 0 : i32
    %dma_start3A_11 = tpu.memref_slice %arg7[%dma_start3A_10, %mul3A_2] : memref<5x16384xf32, #tpu.memory_space<hbm>> -> memref<5x1024xf32, #tpu.memory_space<hbm>>
    %dma_start3A_12 = arith.constant 0 : i32
    %dma_start3A_13 = tpu.memref_slice %arg7[%dma_start3A_12, %mul3A_2] : memref<5x16384xf32, #tpu.memory_space<hbm>> -> memref<5x1024xf32, #tpu.memory_space<hbm>>
    tpu.enqueue_dma source(%arg13 : memref<5x1024xf32, #tpu.memory_space<vmem>>) target(%dma_start3A_13 : memref<5x1024xf32, #tpu.memory_space<hbm>>) target_semaphore(%arg14 : memref<!tpu.dma_semaphore, #tpu.memory_space<semaphore_mem>>)
    %dma_wait3A_14 = arith.constant 0 : i32
    %dma_wait3A_15 = tpu.memref_slice %arg7[%dma_wait3A_14, %mul3A_2] : memref<5x16384xf32, #tpu.memory_space<hbm>> -> memref<5x1024xf32, #tpu.memory_space<hbm>>
    %dma_wait3A_16 = arith.constant 0 : i32
    %dma_wait3A_17 = tpu.memref_slice %arg7[%dma_wait3A_16, %mul3A_2] : memref<5x16384xf32, #tpu.memory_space<hbm>> -> memref<5x1024xf32, #tpu.memory_space<hbm>>
    tpu.wait_dma2 semaphore(%arg14 : memref<!tpu.dma_semaphore, #tpu.memory_space<semaphore_mem>>) src(%arg13 : memref<5x1024xf32, #tpu.memory_space<vmem>>) dst(%dma_wait3A_17 : memref<5x1024xf32, #tpu.memory_space<hbm>>)
    return
  }
}

</mosaic_0001>

<sc_bundles>
// kernel: _run.3.cloned.1.call-start
scs
__scs_entry_jumppad:
0x0: {  	(pc) =	sbr.rel $0x88, $3  }
0x1: {  	(tag) =	ssettag $0x0;
	lr =	simm.s32 $0x1  }
0x2: {  	[smem:$0x3F9C] =	sst lr;
	_ =	strace $0xD0000000  }
0x3: {  	_ = 	snop  }
0x4: {  	_ = 	snop  }
0x5: {  	_ = 	snop  }
0x6: {  	_ = 	snop  }
0x7: {  	_ = 	snop  }
__scs_overlays_trampoline_lowered:
0x8: {  	[smem:$0x3FAB] =	sst s0  }
0x9: {  	[smem:$0x3FAC] =	sst s1  }
0xa: {  	[smem:$0x3FAD] =	sst s2  }
0xb: {  	[smem:$0x3FAE] =	sst s3  }
0xc: {  	[smem:$0x3FAF] =	sst s4  }
0xd: {  	[smem:$0x3FB0] =	sst s5  }
0xe: {  	[smem:$0x3FB1] =	sst s6  }
0xf: {  	[smem:$0x3FB2] =	sst s7  }
0x10: {  	[smem:$0x3FB3] =	sst s8  }
0x11: {  	[smem:$0x3FB4] =	sst s9;
	s0 =	simm.s32 @!p0 $0x0  }
0x12: {  	s1 =	sld [smem:$0x3F9A];
	s0 =	simm.s32 @p0 $0x1  }
0x13: {  	[smem:$0x3FB5] =	sst s0;
	s0 =	simm.s32 @!p1 $0x0  }
0x14: {  	s2 =	sld [smem:$0x3F99];
	s0 =	simm.s32 @p1 $0x1  }
0x15: {  	[smem:$0x3FB6] =	sst s0;
	s0 =	simm.s32 @!p2 $0x0  }
0x16: {  	s3 =	sld [smem:$0x3FDB];
	s0 =	simm.s32 @p2 $0x1  }
0x17: {  	s4 =	simm.s32 $0x1BF5;
	[smem:$0x3FB8] =	sst s0  }
0x18: {  	s0 =	sld [smem:$0x3F9B];
	_ =	swait.ge [sflag:s4], $0x0  }
0x19: {  	s7 =	sld [smem:$0x3F9C]  }
0x1a: {  	s8 =	sadd.s32 $0xFFFFE003, lr  }
0x1b: {  	s9 =	sadd.s32 $0xFFFFFEF7, lr;
	s5 =	simm.s32 $0xFFFFFFFF;
	p2 =	slt.u32 s8, $0xFFFFF086  }
0x1c: {  	p1 =	slt.u32 s9, $0xF7A;
	s5 =	simm.s32 @!p2 $0x0  }
0x1d: {  	s5 =	simm.s32 @p1 $0x1;
	p0 =	seq.s32 s7, s2  }
0x1e: {  	s7 =	smul.u32 @!p0 $0xF7A, s2;
	p2 =	seq.s32 @!p0 s5, $0x0  }
0x1f: {  	s9 =	smul.u32 $0xF7A, s1;
	s8 =	simm.s32 @!p0 $0x1BF5;
	p2 =	por !p2, p0  }
0x20: {  	[sflag:s8] =	ssyncset.s32 @!p0 $0xFFFFF086;
	s6 =	sadd.s32 @!p0 s3, s7;
	s7 =	simm.s32 @!p0 $0x108  }
0x21: {  	s3 =	sadd.s32 s3, s9;
	s6 =	sadd.s32 @!p0 $0x88, s6;
	s7 =	simm.s32 @p2 $0x1082  }
0x22: {  	[simem:s7], [sflag:s8] =	dma.local @!p0 [hbm:s6], $0xF7A  }
0x23: {  	s9 =	sor.u32 $0xD0000000, s2;
	s6 =	simm.s32 $0x108;
	_ =	swait.ge @!p0 [sflag:s8], $0x0  }
0x24: {  	s3 =	sadd.s32 $0x88, s3;
	s6 =	simm.s32 @!p1 $0x1082;
	[sflag:s4] =	ssyncset.s32 $0xFFFFF086  }
0x25: {  	[simem:s6], [sflag:s4] =	dma.local [hbm:s3], $0xF7A  }
0x26: {  	[smem:$0x3F9C] =	sst s1;
	(tag) =	ssettag s2;
	_ =	strace s9  }
0x27: {  	s1 =	sld [smem:$0x3FAC]  }
0x28: {  	s2 =	sld [smem:$0x3FAD]  }
0x29: {  	s4 =	sld [smem:$0x3FAF]  }
0x2a: {  	p0 =	seq.s32 s5, $0x0;
	s5 =	sld [smem:$0x3FB0]  }
0x2b: {  	s6 =	sld [smem:$0x3FB1]  }
0x2c: {  	s7 =	sld [smem:$0x3FB2]  }
0x2d: {  	s3 =	simm.s32 $0x108;
	s8 =	sld [smem:$0x3FB3]  }
0x2e: {  	s3 =	simm.s32 @!p0 $0x1082;
	s9 =	sld [smem:$0x3FB4]  }
0x2f: {  	lr =	sadd.s32 s0, s3;
	s0 =	sld [smem:$0x3FAB]  }
0x30: {  	s3 =	sld [smem:$0x3FAE]  }
0x31: {  	[smem:$0x3FB7] =	sst s10  }
0x32: {  	s10 =	sld [smem:$0x3FB5];
	_ =	sdelay $0x3  }
0x33: {  	p0 =	seq.s32 s10, $0x1;
	s10 =	sld [smem:$0x3FB7];
	_ =	sdelay $0x3  }
0x34: {  	[smem:$0x3FB7] =	sst s10  }
0x35: {  	s10 =	sld [smem:$0x3FB6];
	_ =	sdelay $0x3  }
0x36: {  	p1 =	seq.s32 s10, $0x1;
	s10 =	sld [smem:$0x3FB7];
	_ =	sdelay $0x3  }
0x37: {  	[smem:$0x3FB7] =	sst s10  }
0x38: {  	s10 =	sld [smem:$0x3FB8]  }
0x39: {  	_ = 	snop;
	(pc) =	sbr.ind lr, $3  }
0x3a: {  	_ = 	snop  }
0x3b: {  	_ = 	snop  }
0x3c: {  	p2 =	seq.s32 s10, $0x1;
	s10 =	sld [smem:$0x3FB7]  }
0x3d: {  	_ =	shalt  }
0x3e: {  	_ =	shalt  }
0x3f: {  	_ =	shalt  }
0x40: {  	_ =	shalt  }
0x41: {  	_ =	shalt  }
0x42: {  	_ =	shalt  }
0x43: {  	_ =	shalt  }
0x44: {  	_ =	shalt  }
0x45: {  	_ =	shalt  }
0x46: {  	_ =	shalt  }
0x47: {  	_ =	shalt  }
0x48: {  	_ =	shalt  }
0x49: {  	_ =	shalt  }
0x4a: {  	_ =	shalt  }
0x4b: {  	_ =	shalt  }
0x4c: {  	_ =	shalt  }
0x4d: {  	_ =	shalt  }
0x4e: {  	_ =	shalt  }
0x4f: {  	_ =	shalt  }
0x50: {  	_ =	shalt  }
0x51: {  	_ =	shalt  }
0x52: {  	_ =	shalt  }
0x53: {  	_ =	shalt  }
0x54: {  	_ =	shalt  }
0x55: {  	_ =	shalt  }
0x56: {  	_ =	shalt  }
0x57: {  	_ =	shalt  }
0x58: {  	_ =	shalt  }
0x59: {  	_ =	shalt  }
0x5a: {  	_ =	shalt  }
0x5b: {  	_ =	shalt  }
0x5c: {  	_ =	shalt  }
0x5d: {  	_ =	shalt  }
0x5e: {  	_ =	shalt  }
0x5f: {  	_ =	shalt  }
0x60: {  	_ =	shalt  }
0x61: {  	_ =	shalt  }
0x62: {  	_ =	shalt  }
0x63: {  	_ =	shalt  }
0x64: {  	_ =	shalt  }
0x65: {  	_ =	shalt  }
0x66: {  	_ =	shalt  }
0x67: {  	_ =	shalt  }
0x68: {  	_ =	shalt  }
0x69: {  	_ =	shalt  }
0x6a: {  	_ =	shalt  }
0x6b: {  	_ =	shalt  }
0x6c: {  	_ =	shalt  }
0x6d: {  	_ =	shalt  }
0x6e: {  	_ =	shalt  }
0x6f: {  	_ =	shalt  }
0x70: {  	_ =	shalt  }
0x71: {  	_ =	shalt  }
0x72: {  	_ =	shalt  }
0x73: {  	_ =	shalt  }
0x74: {  	_ =	shalt  }
0x75: {  	_ =	shalt  }
0x76: {  	_ =	shalt  }
0x77: {  	_ =	shalt  }
0x78: {  	_ =	shalt  }
0x79: {  	_ =	shalt  }
0x7a: {  	_ =	shalt  }
0x7b: {  	_ =	shalt  }
0x7c: {  	_ =	shalt  }
0x7d: {  	_ =	shalt  }
0x7e: {  	_ =	shalt  }
0x7f: {  	_ =	shalt  }
0x80: {  	_ =	shalt  }
0x81: {  	_ =	shalt  }
0x82: {  	_ =	shalt  }
0x83: {  	_ =	shalt  }
0x84: {  	_ =	shalt  }
0x85: {  	_ =	shalt  }
0x86: {  	_ =	shalt  }
0x87: {  	_ =	shalt  }
.Lfunc_end0:
.L_simem_size_0:
called_computation_lowered:
.L_overlay_start_0:
0x88: {  	s0 =	sld [smem:$0x3FD9]  }
0x89: {  	s1 =	sld [smem:$0x3FFE];
	_ =	sdelay $0x3  }
0x8a: {  	s0 =	sadd.s32 s1, s0  }
0x8b: {  	[smem:$0x3FC3] =	sst s0  }
0x8c: {  	_ = 	snop  }
0x8d: {  	s0 =	sld [smem:$0x3FC9]  }
0x8e: {  	s17 =	sld [smem:$0x3FC8]  }
0x8f: {  	s2 =	sld [smem:$0x3FC7]  }
0x90: {  	s3 =	sld [smem:$0x3FC6]  }
0x91: {  	s4 =	sld [smem:$0x3FC5]  }
0x92: {  	s5 =	sld [smem:$0x3FD0];
	(tm) =	ssettm $0x1  }
0x93: {  	s6 =	sld [smem:$0x3FFB];
	_ =	sdelay $0x3  }
0x94: {  	_ =	strace s6  }
0x95: {  	s6 =	sld [smem:$0x3FFC];
	_ =	sdelay $0x3  }
0x96: {  	_ =	strace s6  }
0x97: {  	s6 =	sld [smem:$0x3FFD];
	_ =	sdelay $0x3  }
0x98: {  	_ =	strace s6  }
0x99: {  	_ =	strace $0x8FFFFFFF  }
0x9a: {  	s18 =	sld [smem:$0x3FDB];
	_ =	sdelay $0x1  }
0x9b: {  	s7 =	simm.s32 $_scs_section_size  }
0x9c: {  	s8 =	simm.s32 $_size__tile_overlayer_lowered;
	s9 =	simm.s32 $_tile_overlayer_lowered  }
0x9d: {  	s21 =	simm.s32 $0x1BFF;
	s20 =	sshll.u32 s9, $0x1;
	s6 =	sadd.s32 s7, s18  }
0x9e: {  	s10 =	simm.s32 $0x0;
	s19 =	sshll.u32 s8, $0x1;
	s8 =	sadd.s32 s20, s6  }
0x9f: {  	[timem:s10], [sflag:s21] =	dma.local [hbm:s8], s19  }
0xa0: {  	_ =	swait.ge [sflag:s21], s19  }
0xa1: {  	s7 =	ssub.s32 $0x0, s19;
	[sflag:s21] =	ssyncset.done $0x0  }
0xa2: {  	[sflag:s21] =	ssyncadd.s32 s7;
	_ =	sdelay $0x1  }
0xa3: {  	s22 =	simm.s32 $0x1B8B  }
0xa4: {  	_ =	swait.ge [sflag:s22], $0x1  }
0xa5: {  	[sflag:s22] =	ssyncset.done $0x0  }
0xa6: {  	s23 =	simm.s32 $0x1B8E;
	[sflag:s22] =	ssyncadd.s32 $0xFFFFFFFF  }
0xa7: {  	s24 =	simm.s32 $execute0_lowered;
	[smem:$0x3FD2] =	sst s23  }
0xa8: {  	s7 =	sshll.u32 s24, $0x1;
	_ =	strace $0x80000046;
	[dreg:$0x1] =	wrdreg $0xFFFFFFFF  }
0xa9: {  	s25 =	simm.s32 $_size_execute0_lowered;
	s6 =	sadd.s32 s6, s7;
	[dreg:$0x0] =	wrdreg $0x0  }
0xaa: {  	s7 =	sshll.u32 s25, $0x1;
	[dreg:$0x2] =	wrdreg s6  }
0xab: {  	[dreg:$0x3] =	wrdreg s7  }
0xac: {  	[dreg:$0x4] =	wrdreg $0xC0  }
0xad: {  	_ =	task [dreg:s10], $0x5FFFF  }
0xae: {  	[dreg:$0x1] =	wrdreg $0xFFFFFFFF  }
0xaf: {  	[dreg:$0x0] =	wrdreg $0x60  }
0xb0: {  	[dreg:$0x2] =	wrdreg s0  }
0xb1: {  	[dreg:$0x3] =	wrdreg s17  }
0xb2: {  	[dreg:$0x4] =	wrdreg s2  }
0xb3: {  	[dreg:$0x5] =	wrdreg s3  }
0xb4: {  	[dreg:$0x6] =	wrdreg s4  }
0xb5: {  	[dreg:$0x7] =	wrdreg s5  }
0xb6: {  	[dreg:$0x8] =	wrdreg $0x9  }
0xb7: {  	_ =	task.clear_ibuf [dreg:s10], $0x9FFFF;
	_ =	strace $0x90000046  }
0xb8: {  	s26 =	simm.s32 $0x9;
	_ =	strace $0x80000048  }
0xb9: {  	_ =	swait.ge [sflag:s26], $0x1  }
0xba: {  	[sflag:s26] =	ssyncadd.s32 $0xFFFFFFFF  }
0xbb: {  	_ =	strace $0x90000048  }
0xbc: {  	_ =	sfence  }
0xbd: {  	s28 =	sld [smem:$0x0];
	_ =	sdelay $0x1  }
0xbe: {  	s29 =	srdreg.scid  }
0xbf: {  	s30 =	sshll.u32 s29, $0xD;
	s31 =	sshrl.u32 s29, $0x2  }
0xc0: {  	s1 =	sand.u32 $0x1, s29;
	s2 =	sand.u32 $0x4000, s30;
	s0 =	sadd.s32 s31, s28  }
0xc1: {  	s1 =	sor.u32 s2, s1;
	s0 =	sshll.u32 s0, $0x11  }
0xc2: {  	s0 =	sor.u32 s0, s1  }
0xc3: {  	s0 =	sadd.s32 $0x8F2B, s0  }
0xc4: {  	[sflag:s0] =	ssyncadd.remote.s32 $0x1  }
0xc5: {  	_ =	sfence.sel $0xFFFF  }
0xc6: {  	[dreg:$0x0] =	wrdreg $0xFFFFFFFF;
	(pc) =	sbr.abs _section_cstart, $3  }
0xc7: {  	[dreg:$0x1] =	wrdreg $0xFFFFFFFF  }
0xc8: {  	_ =	task.clear_ibuf [dreg:s10], $0x2FFFF;
	_ =	strace $0x9FFFFFFF  }
0xc9: {  	(tm) =	ssettm $0x7FFFFFFF  }
tec
execute0_lowered:
.L_overlay_start_1:
0x0: {  	(tag) =	ssettag $0x1  }
0x1: {  	s3 =	rddreg [dreg:$0x0]  }
0x2: {  	s4 =	rddreg [dreg:$0x1]  }
0x3: {  	s5 =	rddreg [dreg:$0x2]  }
0x4: {  	s6 =	rddreg [dreg:$0x3]  }
0x5: {  	s7 =	rddreg [dreg:$0x4]  }
0x6: {  	s2 =	rddreg [dreg:$0x5];
	s8 =	simm.s32 $0x0;
	s1 =	stileid.u32  }
0x7: {  	[smem:$0x7FF] =	sst s8;
	s9 =	sshll.u32 s1, $0x7  }
0x8: {  	s0 =	rddreg [dreg:$0x6];
	_ =	strace $0x80000047;
	s3 =	sadd.s32 s3, s9  }
0x9: {  	[tilespmem:s8], [sflag:$0x1] =	stream.linear.gather [hbm4b:s3+s8], $0x400, $0x38;
	[tilespmem:$0x3400] =	vst v63  }
0xa: {  	s3 =	simm.s32 $0x400  }
0xb: {  	[tilespmem:s3], [sflag:$0x1] =	stream.linear.gather [hbm4b:s4+s8], $0x400, $0x38;
	[tilespmem:$0x3400] =	vst v63  }
0xc: {  	s4 =	simm.s32 $0x800  }
0xd: {  	[tilespmem:s4], [sflag:$0x1] =	stream.linear.gather [hbm4b:s5+s8], $0x400, $0x38;
	[tilespmem:$0x3400] =	vst v63  }
0xe: {  	s5 =	simm.s32 $0xC00  }
0xf: {  	[tilespmem:s5], [sflag:$0x1] =	stream.linear.gather [hbm4b:s6+s8], $0x400, $0x38;
	[tilespmem:$0x3400] =	vst v63  }
0x10: {  	s31 =	simm.s32 $0x1;
	s6 =	simm.s32 $0x1000  }
0x11: {  	[tilespmem:s6], [sflag:$0x1] =	stream.linear.gather [hbm4b:s7+s8], $0x400, $0x38;
	[tilespmem:$0x3400] =	vst v63  }
0x12: {  	_ =	swait.ge [sflag:s31], $0x400  }
0x13: {  	[sflag:s31] =	ssyncset.done $0x0  }
0x14: {  	[sflag:s31] =	ssyncadd.s32 $0xFFFFFC00  }
0x15: {  	_ =	swait.ge [sflag:s31], $0x400  }
0x16: {  	[sflag:s31] =	ssyncset.done $0x0  }
0x17: {  	[sflag:s31] =	ssyncadd.s32 $0xFFFFFC00  }
0x18: {  	_ =	swait.ge [sflag:s31], $0x400  }
0x19: {  	[sflag:s31] =	ssyncset.done $0x0  }
0x1a: {  	[sflag:s31] =	ssyncadd.s32 $0xFFFFFC00  }
0x1b: {  	_ =	swait.ge [sflag:s31], $0x400  }
0x1c: {  	[sflag:s31] =	ssyncset.done $0x0  }
0x1d: {  	[sflag:s31] =	ssyncadd.s32 $0xFFFFFC00  }
0x1e: {  	_ =	swait.ge [sflag:s31], $0x400  }
0x1f: {  	s9 =	simm.s32 $0x40;
	[sflag:s31] =	ssyncset.done $0x0  }
0x20: {  	s7 =	simm.s32 $0xFFFFFFF8;
	s8 =	simm.s32 $0x1540;
	[sflag:s31] =	ssyncadd.s32 $0xFFFFFC00  }
.LBB2_1:
0x21: {  	v0 =	vld [tilespmem:s9+$0xFFFFFFC0];
	_ =	sdelay $0x7  }
0x22: {  	v1 =	vld.idx.msk [tilespmem:v0+s5+$0x0], $0xffff;
	_ =	sdelay $0x4  }
0x23: {  	v2 =	vmax.f32 v1, $9.999999680e-21  }
0x24: {  	(erf) = vrcp.f32 v2;
	_ =	sdelay $0x2  }
0x25: {  	v34 =	vld.idx.msk [tilespmem:v0+s3+$0x0], $0xffff  }
0x26: {  	v3 =	vld.idx.msk [tilespmem:v0+s4+$0x0], $0xffff;
	_ =	sdelay $0x1  }
0x27: {  	v0 =	vld.idx.msk [tilespmem:v0+s6+$0x0], $0xffff;
	_ =	sdelay $0x1  }
0x28: {  	v4 =	vmul.f32 v34, v34;
	[tilespmem:s8+$0xFFFFFEC0] =	vst v34  }
0x29: {  	[tilespmem:s8+$0xFFFFFF40] =	vst v3;
	v35 =	vpop (erf)  }
0x2a: {  	[tilespmem:s8+$0xFFFFFFC0] =	vst v1;
	v2 =	vmul.f32 v35, v4  }
0x2b: {  	[tilespmem:s8+$0x40] =	vst v0  }
0x2c: {  	[tilespmem:s8+$0xC0] =	vst v2  }
0x2d: {  	v0 =	vld [tilespmem:s9+$0xFFFFFFD0];
	_ =	sdelay $0x7  }
0x2e: {  	v1 =	vld.idx.msk [tilespmem:v0+s5+$0x0], $0xffff;
	_ =	sdelay $0x4  }
0x2f: {  	v36 =	vmax.f32 v1, $9.999999680e-21  }
0x30: {  	(erf) = vrcp.f32 v36;
	_ =	sdelay $0x2  }
0x31: {  	v37 =	vld.idx.msk [tilespmem:v0+s3+$0x0], $0xffff  }
0x32: {  	v3 =	vld.idx.msk [tilespmem:v0+s4+$0x0], $0xffff;
	_ =	sdelay $0x1  }
0x33: {  	v0 =	vld.idx.msk [tilespmem:v0+s6+$0x0], $0xffff;
	_ =	sdelay $0x1  }
0x34: {  	v38 =	vmul.f32 v37, v37;
	[tilespmem:s8+$0xFFFFFED0] =	vst v37  }
0x35: {  	[tilespmem:s8+$0xFFFFFF50] =	vst v3;
	v39 =	vpop (erf)  }
0x36: {  	[tilespmem:s8+$0xFFFFFFD0] =	vst v1;
	v2 =	vmul.f32 v39, v38  }
0x37: {  	[tilespmem:s8+$0x50] =	vst v0  }
0x38: {  	[tilespmem:s8+$0xD0] =	vst v2  }
0x39: {  	v0 =	vld [tilespmem:s9+$0xFFFFFFE0];
	_ =	sdelay $0x7  }
0x3a: {  	v1 =	vld.idx.msk [tilespmem:v0+s5+$0x0], $0xffff;
	_ =	sdelay $0x4  }
0x3b: {  	v40 =	vmax.f32 v1, $9.999999680e-21  }
0x3c: {  	(erf) = vrcp.f32 v40;
	_ =	sdelay $0x2  }
0x3d: {  	v41 =	vld.idx.msk [tilespmem:v0+s3+$0x0], $0xffff  }
0x3e: {  	v3 =	vld.idx.msk [tilespmem:v0+s4+$0x0], $0xffff;
	_ =	sdelay $0x1  }
0x3f: {  	v0 =	vld.idx.msk [tilespmem:v0+s6+$0x0], $0xffff;
	_ =	sdelay $0x1  }
0x40: {  	v42 =	vmul.f32 v41, v41;
	[tilespmem:s8+$0xFFFFFEE0] =	vst v41  }
0x41: {  	[tilespmem:s8+$0xFFFFFF60] =	vst v3;
	v43 =	vpop (erf)  }
0x42: {  	[tilespmem:s8+$0xFFFFFFE0] =	vst v1;
	v2 =	vmul.f32 v43, v42  }
0x43: {  	[tilespmem:s8+$0x60] =	vst v0  }
0x44: {  	[tilespmem:s8+$0xE0] =	vst v2  }
0x45: {  	v0 =	vld [tilespmem:s9+$0xFFFFFFF0];
	_ =	sdelay $0x7  }
0x46: {  	v1 =	vld.idx.msk [tilespmem:v0+s5+$0x0], $0xffff;
	_ =	sdelay $0x4  }
0x47: {  	v44 =	vmax.f32 v1, $9.999999680e-21  }
0x48: {  	(erf) = vrcp.f32 v44;
	_ =	sdelay $0x2  }
0x49: {  	v45 =	vld.idx.msk [tilespmem:v0+s3+$0x0], $0xffff  }
0x4a: {  	v3 =	vld.idx.msk [tilespmem:v0+s4+$0x0], $0xffff;
	_ =	sdelay $0x1  }
0x4b: {  	v0 =	vld.idx.msk [tilespmem:v0+s6+$0x0], $0xffff;
	_ =	sdelay $0x1  }
0x4c: {  	v46 =	vmul.f32 v45, v45;
	[tilespmem:s8+$0xFFFFFEF0] =	vst v45  }
0x4d: {  	[tilespmem:s8+$0xFFFFFF70] =	vst v3;
	v47 =	vpop (erf)  }
0x4e: {  	[tilespmem:s8+$0xFFFFFFF0] =	vst v1;
	v2 =	vmul.f32 v47, v46  }
0x4f: {  	[tilespmem:s8+$0x70] =	vst v0  }
0x50: {  	[tilespmem:s8+$0xF0] =	vst v2  }
0x51: {  	v0 =	vld [tilespmem:s9+$0x0];
	_ =	sdelay $0x7  }
0x52: {  	v1 =	vld.idx.msk [tilespmem:v0+s5+$0x0], $0xffff;
	_ =	sdelay $0x4  }
0x53: {  	v48 =	vmax.f32 v1, $9.999999680e-21  }
0x54: {  	(erf) = vrcp.f32 v48;
	_ =	sdelay $0x2  }
0x55: {  	v49 =	vld.idx.msk [tilespmem:v0+s3+$0x0], $0xffff  }
0x56: {  	v3 =	vld.idx.msk [tilespmem:v0+s4+$0x0], $0xffff;
	_ =	sdelay $0x1  }
0x57: {  	v0 =	vld.idx.msk [tilespmem:v0+s6+$0x0], $0xffff;
	_ =	sdelay $0x1  }
0x58: {  	v50 =	vmul.f32 v49, v49;
	[tilespmem:s8+$0xFFFFFF00] =	vst v49  }
0x59: {  	[tilespmem:s8+$0xFFFFFF80] =	vst v3;
	v51 =	vpop (erf)  }
0x5a: {  	[tilespmem:s8+$0x0] =	vst v1;
	v2 =	vmul.f32 v51, v50  }
0x5b: {  	[tilespmem:s8+$0x80] =	vst v0  }
0x5c: {  	[tilespmem:s8+$0x100] =	vst v2  }
0x5d: {  	v0 =	vld [tilespmem:s9+$0x10];
	_ =	sdelay $0x7  }
0x5e: {  	v1 =	vld.idx.msk [tilespmem:v0+s5+$0x0], $0xffff;
	_ =	sdelay $0x4  }
0x5f: {  	v52 =	vmax.f32 v1, $9.999999680e-21  }
0x60: {  	(erf) = vrcp.f32 v52;
	_ =	sdelay $0x2  }
0x61: {  	v53 =	vld.idx.msk [tilespmem:v0+s3+$0x0], $0xffff  }
0x62: {  	v3 =	vld.idx.msk [tilespmem:v0+s4+$0x0], $0xffff;
	_ =	sdelay $0x1  }
0x63: {  	v0 =	vld.idx.msk [tilespmem:v0+s6+$0x0], $0xffff;
	_ =	sdelay $0x1  }
0x64: {  	v54 =	vmul.f32 v53, v53;
	[tilespmem:s8+$0xFFFFFF10] =	vst v53  }
0x65: {  	[tilespmem:s8+$0xFFFFFF90] =	vst v3;
	v55 =	vpop (erf)  }
0x66: {  	[tilespmem:s8+$0x10] =	vst v1;
	v2 =	vmul.f32 v55, v54  }
0x67: {  	[tilespmem:s8+$0x90] =	vst v0  }
0x68: {  	[tilespmem:s8+$0x110] =	vst v2  }
0x69: {  	v0 =	vld [tilespmem:s9+$0x20];
	_ =	sdelay $0x7  }
0x6a: {  	v1 =	vld.idx.msk [tilespmem:v0+s5+$0x0], $0xffff;
	_ =	sdelay $0x4  }
0x6b: {  	v56 =	vmax.f32 v1, $9.999999680e-21  }
0x6c: {  	(erf) = vrcp.f32 v56;
	_ =	sdelay $0x2  }
0x6d: {  	v57 =	vld.idx.msk [tilespmem:v0+s3+$0x0], $0xffff  }
0x6e: {  	v3 =	vld.idx.msk [tilespmem:v0+s4+$0x0], $0xffff;
	_ =	sdelay $0x1  }
0x6f: {  	v0 =	vld.idx.msk [tilespmem:v0+s6+$0x0], $0xffff;
	_ =	sdelay $0x1  }
0x70: {  	v58 =	vmul.f32 v57, v57;
	[tilespmem:s8+$0xFFFFFF20] =	vst v57  }
0x71: {  	[tilespmem:s8+$0xFFFFFFA0] =	vst v3;
	v59 =	vpop (erf)  }
0x72: {  	[tilespmem:s8+$0x20] =	vst v1;
	v2 =	vmul.f32 v59, v58  }
0x73: {  	[tilespmem:s8+$0xA0] =	vst v0  }
0x74: {  	[tilespmem:s8+$0x120] =	vst v2  }
0x75: {  	v0 =	vld [tilespmem:s9+$0x30];
	_ =	sdelay $0x7  }
0x76: {  	v1 =	vld.idx.msk [tilespmem:v0+s5+$0x0], $0xffff;
	_ =	sdelay $0x4  }
0x77: {  	v60 =	vmax.f32 v1, $9.999999680e-21  }
0x78: {  	(erf) = vrcp.f32 v60;
	_ =	sdelay $0x2  }
0x79: {  	v61 =	vld.idx.msk [tilespmem:v0+s3+$0x0], $0xffff  }
0x7a: {  	v3 =	vld.idx.msk [tilespmem:v0+s4+$0x0], $0xffff;
	_ =	sdelay $0x1  }
0x7b: {  	s7 =	sadd.s32 $0x8, s7;
	v0 =	vld.idx.msk [tilespmem:v0+s6+$0x0], $0xffff  }
0x7c: {  	p0 =	slt.u32 s7, $0x38  }
.Ltmp0:
0x7d: {  	v62 =	vmul.f32 v61, v61;
	[tilespmem:s8+$0xFFFFFF30] =	vst v61;
	(pc) =	sbr.rel @p0 .LBB2_1-.Ltmp0, $4  }
0x7e: {  	[tilespmem:s8+$0xFFFFFFB0] =	vst v3;
	v63 =	vpop (erf)  }
0x7f: {  	[tilespmem:s8+$0x30] =	vst v1;
	v2 =	vmul.f32 v63, v62  }
0x80: {  	[tilespmem:s8+$0xB0] =	vst v0  }
0x81: {  	s9 =	sadd.s32 $0x80, s9;
	[tilespmem:s8+$0x130] =	vst v2;
	s8 =	sadd.s32 $0x400, s8  }
0x82: {  	s3 =	sshll.u32 s1, $0xA;
	s30 =	simm.s32 $0x0  }
0x83: {  	s4 =	simm.s32 $0x1400;
	s31 =	simm.s32 $0x1;
	s2 =	sadd.s32 s2, s3  }
0x84: {  	[hbm4b:s2+s30] =	stream.linear.scatter [tilespmem:s4], [sflag:$0x1], $0x2000, $0x38;
	[tilespmem:$0x3400] =	vst v63  }
0x85: {  	_ =	swait.ge [sflag:s31], $0x2000  }
0x86: {  	[sflag:s31] =	ssyncset.done $0x0  }
0x87: {  	[sflag:s31] =	ssyncadd.s32 $0xFFFFE000  }
0x88: {  	_ =	sfence.sel $0x180000  }
0x89: {  	[bflag:$0x0] =	sbarrier.arrive $0xFFFF  }
0x8a: {  	p0 =	sne.s32 s1, $0x0;
	_ =	strace $0x90000047  }
0x8b: {  	s0 =	sadd.s32 @!p0 $0x100000, s0;
	[bflag:$0x2] =	sbarrier.arrive $0xFFFF  }
0x8c: {  	[sflag:s0] =	ssyncadd.tile.s32 @!p0 $0x1;
	_ =	shalt  }
.Lfunc_end2:
_tile_overlayer_lowered:
.L_overlay_start_2:
0x8d: {  	(tag) =	ssettag $0x2  }
0x8e: {  	s0 =	rddreg [dreg:$0x0];
	s2 =	stileid.u32  }
0x8f: {  	s1 =	rddreg [dreg:$0x1];
	p0 =	sne.s32 s2, $0x0  }
0x90: {  	s3 =	rddreg [dreg:$0x2];
	[bflag:$0x3] =	sbarrier.arrive $0xFFFF;
	s2 =	simm.s32 @!p0 $0x1C02  }
0x91: {  	[timem:s3], [sflag:s2] =	dma.local @!p0 [hbm:s0], s1  }
0x92: {  	s0 =	simm.s32 @!p0 $0x2  }
0x93: {  	_ =	swait.ge @!p0 [sflag:s0], s1  }
0x94: {  	s1 =	ssub.s32 @!p0 $0x0, s1;
	[sflag:s0] =	ssyncset.done @!p0 $0x0  }
0x95: {  	[sflag:s0] =	ssyncadd.s32 @!p0 s1  }
0x96: {  	[bflag:$0x3] =	sbarrier.arrive $0xFFFF  }
0x97: {  	_ =	shalt  }

</sc_bundles>
